<compile_context>
chip_gen: v7x
topology: tpu7x:2x2x1
jax: 0.10.2.dev20260603
libtpu: 0.0.44.dev20260713+nightly
codegen_flags: <defaults>
</compile_context>

<pallas_src>
import functools

import jax
import jax.numpy as jnp
from jax import lax
from jax.experimental import pallas as pl
from jax.experimental.pallas import tpu as pltpu
from jax.experimental.pallas import tpu_sc as plsc

_B, _N, _K = 2, 40960, 16
_NK = _N * _K
_Q = _B * _NK
_EPS = 1e-5

_NC, _NS = 2, 16
_NW = _NC * _NS
_C = 2048
_CR = _C // 128

_CB = 4096
_NB = _NK // _CB
_PB = _CB // _K


def _sc_gather(xt, yt, zt, idx_hbm, xo, yo, zo, idx_v, xg, yg, zg, sem):
    wid = lax.axis_index("s") * _NC + lax.axis_index("c")
    per_w = _Q // _NW
    num_chunks = per_w // _C

    def chunk_body(t, carry):
        base = pl.multiple_of(wid * per_w + t * _C, _C)
        pltpu.sync_copy(idx_hbm.at[pl.ds(base, _C)], idx_v)
        c1 = pltpu.async_copy(xt.at[idx_v], xg, sem)
        c2 = pltpu.async_copy(yt.at[idx_v], yg, sem)
        c3 = pltpu.async_copy(zt.at[idx_v], zg, sem)
        c1.wait()
        c2.wait()
        c3.wait()
        pltpu.sync_copy(xg, xo.at[pl.ds(base, _C)])
        pltpu.sync_copy(yg, yo.at[pl.ds(base, _C)])
        pltpu.sync_copy(zg, zo.at[pl.ds(base, _C)])
        return carry

    lax.fori_loop(0, num_chunks, chunk_body, 0)


def _feat_block(xr, yr, zr, ptsr):
    nbr = jnp.concatenate([xr[0], yr[0], zr[0]], axis=0)
    pts4 = ptsr[0][0:3]
    pts = jnp.broadcast_to(pts4[:, :, None], (3, _PB, _K)).reshape(3, _CB)
    rel = pts - nbr
    dist = jnp.sqrt(jnp.sum(rel * rel, axis=0, keepdims=True))
    ones = jnp.ones((1, _CB), jnp.float32)
    return jnp.concatenate([dist, pts, nbr, ones], axis=0)


def _moments_body(xr, yr, zr, ptsr, out_ref):
    f8 = _feat_block(xr, yr, zr, ptsr)
    part = lax.dot_general(f8, f8, (((1,), (1,)), ((), ())),
                           preferred_element_type=jnp.float32,
                           precision=lax.Precision.HIGHEST)

    @pl.when((pl.program_id(0) == 0) & (pl.program_id(1) == 0))
    def _init():
        out_ref[...] = jnp.zeros_like(out_ref)

    out_ref[...] += part


def _apply_body(xr, yr, zr, ptsr, wt_ref, out_ref):
    f8 = _feat_block(xr, yr, zr, ptsr)
    o = lax.dot_general(wt_ref[...], f8, (((1,), (0,)), ((), ())),
                        preferred_element_type=jnp.float32,
                        precision=lax.Precision.HIGHEST)
    out_ref[0] = jnp.maximum(o, 0.0)


def kernel(xyz, feature, neigh_idx, W, b, gamma, beta):
    del feature
    xt = xyz[:, :, 0].reshape(_B * _N)
    yt = xyz[:, :, 1].reshape(_B * _N)
    zt = xyz[:, :, 2].reshape(_B * _N)
    idx_glob = (neigh_idx.reshape(_B, _NK)
                + (jnp.arange(_B, dtype=jnp.int32) * _N)[:, None])
    idx_flat = idx_glob.reshape(_Q)
    xyz_t = jnp.concatenate(
        [jnp.transpose(xyz, (0, 2, 1)),
         jnp.zeros((_B, 1, _N), jnp.float32)], axis=1)

    mesh = plsc.VectorSubcoreMesh(core_axis_name="c", subcore_axis_name="s")
    vshape = jax.ShapeDtypeStruct((_Q,), jnp.float32)
    xo, yo, zo = pl.kernel(
        _sc_gather,
        mesh=mesh,
        out_type=(vshape, vshape, vshape),
        scratch_types=[
            pltpu.VMEM((_C,), jnp.int32),
            pltpu.VMEM((_C,), jnp.float32),
            pltpu.VMEM((_C,), jnp.float32),
            pltpu.VMEM((_C,), jnp.float32),
            pltpu.SemaphoreType.DMA,
        ],
    )(xt, yt, zt, idx_flat)
    xo = xo.reshape(_B, 1, _NK)
    yo = yo.reshape(_B, 1, _NK)
    zo = zo.reshape(_B, 1, _NK)

    w_dist = W[0:1]
    wx = W[1:4] + W[4:7]
    wn = W[7:10] - W[1:4]
    W_aug = jnp.concatenate([w_dist, wx, wn, b[None, :]], axis=0)

    nbr_specs = [pl.BlockSpec((1, 1, _CB), lambda bb, i: (bb, 0, i))
                 for _ in range(3)]
    pts_spec = pl.BlockSpec((1, 4, _PB), lambda bb, i: (bb, 0, i))

    m2 = pl.pallas_call(
        _moments_body,
        grid=(_B, _NB),
        in_specs=nbr_specs + [pts_spec],
        out_specs=pl.BlockSpec((8, 8), lambda bb, i: (0, 0)),
        out_shape=jax.ShapeDtypeStruct((8, 8), jnp.float32),
    )(xo, yo, zo, xyz_t)

    p_cnt = float(_Q)
    s1 = m2[:, 7]
    mean = (s1 / p_cnt) @ W_aug
    ex2 = jnp.einsum("fc,fg,gc->c", W_aug, m2, W_aug) / p_cnt
    var = jnp.maximum(ex2 - mean * mean, 0.0)
    scale = gamma / jnp.sqrt(var + _EPS)
    w_fin = jnp.concatenate(
        [W_aug[0:7] * scale[None, :],
         ((W_aug[7] - mean) * scale + beta)[None, :]], axis=0)

    out = pl.pallas_call(
        _apply_body,
        grid=(_B, _NB),
        in_specs=nbr_specs + [
            pts_spec,
            pl.BlockSpec((16, 8), lambda bb, i: (0, 0)),
        ],
        out_specs=pl.BlockSpec((1, 16, _CB), lambda bb, i: (bb, 0, i)),
        out_shape=jax.ShapeDtypeStruct((_B, 16, _NK), jnp.float32),
    )(xo, yo, zo, xyz_t, w_fin.T)

    return out.reshape(_B, 16, _N, _K)

# --- scband reference (transcript-rebuilt; emitter-appended) ---
"""Pipeline reference for scband-block-72464688218281 (READ-ONLY COPY).

The authoritative reference and input builder live on the scoring server;
editing this copy changes nothing except your own understanding.
"""

import jax, jax.numpy as jnp
import numpy as np

B, N, K = 2, 40960, 16
D_IN, D_OUT = 8, 16
EPS = 1e-5


def setup_inputs(seed: int = 0) -> dict:
    key = jax.random.key(seed)
    k1, k2, k3, k4, k5, k6, k7 = jax.random.split(key, 7)
    xyz = jax.random.normal(k1, (B, N, 3), dtype=jnp.float32)
    feature = jax.random.normal(k2, (B, D_IN, N, 1), dtype=jnp.float32)
    neigh_idx = jax.random.randint(k3, (B, N, K), 0, N, dtype=jnp.int32)
    # pt_utils.Conv2d(10, d_out, kernel_size=(1,1), bn=True): conv1x1 + BN + ReLU
    W = jax.random.normal(k4, (10, D_OUT), dtype=jnp.float32) * (1.0 / np.sqrt(10.0))
    b = jnp.zeros((D_OUT,), dtype=jnp.float32)
    gamma = jnp.ones((D_OUT,), dtype=jnp.float32)
    beta = jnp.zeros((D_OUT,), dtype=jnp.float32)
    return {"xyz": xyz, "feature": feature, "neigh_idx": neigh_idx,
            "W": W, "b": b, "gamma": gamma, "beta": beta}


def gather_neighbour(pc, neighbor_idx):
    # pc: [B, N, d]; neighbor_idx: [B, N, K] -> [B, N, K, d]
    bsz, num_points, d = pc.shape
    k = neighbor_idx.shape[-1]
    index_input = neighbor_idx.reshape(bsz, -1)  # [B, N*K]
    feats = jnp.take_along_axis(pc, index_input[:, :, None], axis=1)  # [B, N*K, d]
    return feats.reshape(bsz, num_points, k, d)


def relative_pos_encoding(xyz, neigh_idx):
    neighbor_xyz = gather_neighbour(xyz, neigh_idx)               # [B, N, K, 3]
    xyz_tile = jnp.repeat(xyz[:, :, None, :], neigh_idx.shape[-1], axis=2)  # [B, N, K, 3]
    relative_xyz = xyz_tile - neighbor_xyz
    relative_dis = jnp.sqrt(jnp.sum(relative_xyz ** 2, axis=-1, keepdims=True))
    return jnp.concatenate([relative_dis, relative_xyz, xyz_tile, neighbor_xyz], axis=-1)  # [B,N,K,10]


def reference(xyz, feature, neigh_idx, W, b, gamma, beta):
    f_xyz = relative_pos_encoding(xyz, neigh_idx)          # [B, N, K, 10]
    f_xyz = jnp.transpose(f_xyz, (0, 3, 1, 2))             # [B, 10, N, K]
    # 1x1 conv: contract channel dim
    out = jnp.einsum('bcnk,co->bonk', f_xyz, W) + b[None, :, None, None]  # [B, d_out, N, K]
    # BatchNorm2d (training-mode batch stats, biased variance)
    mean = jnp.mean(out, axis=(0, 2, 3), keepdims=True)
    var = jnp.var(out, axis=(0, 2, 3), keepdims=True)
    out = (out - mean) / jnp.sqrt(var + EPS)
    out = out * gamma[None, :, None, None] + beta[None, :, None, None]
    # ReLU activation (pt_utils.Conv2d default)
    out = jnp.maximum(out, 0.0)
    return out

if __name__ == "__main__":
    import jax
    _d = setup_inputs()
    print(jax.jit(kernel)(*tuple(_d.values())))

</pallas_src>

<mosaic_0001>
#map = affine_map<(d0, d1) -> (0)>
module attributes {stable_mosaic.version = 14 : i64} {
  func.func @_sc_gather(%arg0: i32, %arg1: i32, %arg2: memref<81920xf32, #tpu.memory_space<hbm>>, %arg3: memref<81920xf32, #tpu.memory_space<hbm>>, %arg4: memref<81920xf32, #tpu.memory_space<hbm>>, %arg5: memref<1310720xi32, #tpu.memory_space<hbm>>, %arg6: memref<1310720xf32, #tpu.memory_space<hbm>>, %arg7: memref<1310720xf32, #tpu.memory_space<hbm>>, %arg8: memref<1310720xf32, #tpu.memory_space<hbm>>, %arg9: memref<2048xi32, #tpu.memory_space<vmem>>, %arg10: memref<2048xf32, #tpu.memory_space<vmem>>, %arg11: memref<2048xf32, #tpu.memory_space<vmem>>, %arg12: memref<2048xf32, #tpu.memory_space<vmem>>, %arg13: memref<!tpu.dma_semaphore, #tpu.memory_space<semaphore_mem>>) attributes {dimension_semantics = [#tpu.dimension_semantics<core_parallel>, #tpu.dimension_semantics<subcore_parallel>], iteration_bounds = array<i64: 2, 16>, scalar_prefetch = 0 : i64, scratch_operands = 5 : i64, tpu.core_type = #tpu.core_type<sc_vector_subcore>, window_params = [{transform_indices = #map}, {transform_indices = #map}, {transform_indices = #map}, {transform_indices = #map}, {transform_indices = #map}, {transform_indices = #map}, {transform_indices = #map}]} {
    %mul3A = arith.constant 2 : i32
    %mul3A_0 = arith.muli %arg1, %mul3A : i32
    %add3A = arith.addi %mul3A_0, %arg0 : i32
    %scan3A = arith.constant 0 : i32
    %scan3A_1 = arith.constant 0 : i32
    %scan3A_2 = arith.constant 20 : i32
    %scan3A_3 = arith.addi %scan3A_1, %scan3A_2 : i32
    %scan3A_4 = arith.constant 1 : i32
    scf.for %scan3A_6 = %scan3A_1 to %scan3A_3 step %scan3A_4  : i32 {
      %mul3A_7 = arith.constant 40960 : i32
      %mul3A_8 = arith.muli %add3A, %mul3A_7 : i32
      %mul3A_9 = arith.constant 2048 : i32
      %mul3A_10 = arith.muli %scan3A_6, %mul3A_9 : i32
      %add3A_11 = arith.addi %mul3A_8, %mul3A_10 : i32
      %multiple_of3A = tpu.assume_multiple %add3A_11, 2048 : i32
      "tpu.region"() ({
        %run_scoped3A = tpu.sem_alloc : memref<!tpu.dma_semaphore, #tpu.memory_space<semaphore_mem>>
        %dma_start3A_22 = tpu.memref_slice %arg5[%multiple_of3A] : memref<1310720xi32, #tpu.memory_space<hbm>> -> memref<2048xi32, #tpu.memory_space<hbm>>
        %dma_start3A_23 = tpu.memref_slice %arg5[%multiple_of3A] : memref<1310720xi32, #tpu.memory_space<hbm>> -> memref<2048xi32, #tpu.memory_space<hbm>>
        tpu.enqueue_dma source(%dma_start3A_23 : memref<2048xi32, #tpu.memory_space<hbm>>) target(%arg9 : memref<2048xi32, #tpu.memory_space<vmem>>) target_semaphore(%run_scoped3A : memref<!tpu.dma_semaphore, #tpu.memory_space<semaphore_mem>>)
        %dma_wait3A_24 = tpu.memref_slice %arg5[%multiple_of3A] : memref<1310720xi32, #tpu.memory_space<hbm>> -> memref<2048xi32, #tpu.memory_space<hbm>>
        %dma_wait3A_25 = tpu.memref_slice %arg5[%multiple_of3A] : memref<1310720xi32, #tpu.memory_space<hbm>> -> memref<2048xi32, #tpu.memory_space<hbm>>
        tpu.wait_dma2 semaphore(%run_scoped3A : memref<!tpu.dma_semaphore, #tpu.memory_space<semaphore_mem>>) src(%dma_wait3A_25 : memref<2048xi32, #tpu.memory_space<hbm>>) dst(%arg9 : memref<2048xi32, #tpu.memory_space<vmem>>)
        tpu.yield
      }) : () -> ()
      %dma_start3A = arith.constant 0 : i32
      %dma_start3A_12 = tpu.memref_slice %arg2[%dma_start3A] : memref<81920xf32, #tpu.memory_space<hbm>> -> memref<81920xf32, #tpu.memory_space<hbm>>
      tpu.enqueue_indirect_dma source(%dma_start3A_12 : memref<81920xf32, #tpu.memory_space<hbm>>) target(%arg10 : memref<2048xf32, #tpu.memory_space<vmem>>) offsets(%arg9 : memref<2048xi32, #tpu.memory_space<vmem>>) semaphore(%arg13 : memref<!tpu.dma_semaphore, #tpu.memory_space<semaphore_mem>>)
      %dma_start3A_13 = arith.constant 0 : i32
      %dma_start3A_14 = tpu.memref_slice %arg3[%dma_start3A_13] : memref<81920xf32, #tpu.memory_space<hbm>> -> memref<81920xf32, #tpu.memory_space<hbm>>
      tpu.enqueue_indirect_dma source(%dma_start3A_14 : memref<81920xf32, #tpu.memory_space<hbm>>) target(%arg11 : memref<2048xf32, #tpu.memory_space<vmem>>) offsets(%arg9 : memref<2048xi32, #tpu.memory_space<vmem>>) semaphore(%arg13 : memref<!tpu.dma_semaphore, #tpu.memory_space<semaphore_mem>>)
      %dma_start3A_15 = arith.constant 0 : i32
      %dma_start3A_16 = tpu.memref_slice %arg4[%dma_start3A_15] : memref<81920xf32, #tpu.memory_space<hbm>> -> memref<81920xf32, #tpu.memory_space<hbm>>
      tpu.enqueue_indirect_dma source(%dma_start3A_16 : memref<81920xf32, #tpu.memory_space<hbm>>) target(%arg12 : memref<2048xf32, #tpu.memory_space<vmem>>) offsets(%arg9 : memref<2048xi32, #tpu.memory_space<vmem>>) semaphore(%arg13 : memref<!tpu.dma_semaphore, #tpu.memory_space<semaphore_mem>>)
      %dma_wait3A = arith.constant 0 : i32
      %dma_wait3A_17 = tpu.memref_slice %arg2[%dma_wait3A] : memref<81920xf32, #tpu.memory_space<hbm>> -> memref<81920xf32, #tpu.memory_space<hbm>>
      tpu.wait_indirect_dma semaphore(%arg13 : memref<!tpu.dma_semaphore, #tpu.memory_space<semaphore_mem>>) src(%dma_wait3A_17 : memref<81920xf32, #tpu.memory_space<hbm>>) dst(%arg10 : memref<2048xf32, #tpu.memory_space<vmem>>)
      %dma_wait3A_18 = arith.constant 0 : i32
      %dma_wait3A_19 = tpu.memref_slice %arg3[%dma_wait3A_18] : memref<81920xf32, #tpu.memory_space<hbm>> -> memref<81920xf32, #tpu.memory_space<hbm>>
      tpu.wait_indirect_dma semaphore(%arg13 : memref<!tpu.dma_semaphore, #tpu.memory_space<semaphore_mem>>) src(%dma_wait3A_19 : memref<81920xf32, #tpu.memory_space<hbm>>) dst(%arg11 : memref<2048xf32, #tpu.memory_space<vmem>>)
      %dma_wait3A_20 = arith.constant 0 : i32
      %dma_wait3A_21 = tpu.memref_slice %arg4[%dma_wait3A_20] : memref<81920xf32, #tpu.memory_space<hbm>> -> memref<81920xf32, #tpu.memory_space<hbm>>
      tpu.wait_indirect_dma semaphore(%arg13 : memref<!tpu.dma_semaphore, #tpu.memory_space<semaphore_mem>>) src(%dma_wait3A_21 : memref<81920xf32, #tpu.memory_space<hbm>>) dst(%arg12 : memref<2048xf32, #tpu.memory_space<vmem>>)
      "tpu.region"() ({
        %run_scoped3A = tpu.sem_alloc : memref<!tpu.dma_semaphore, #tpu.memory_space<semaphore_mem>>
        %dma_start3A_22 = tpu.memref_slice %arg6[%multiple_of3A] : memref<1310720xf32, #tpu.memory_space<hbm>> -> memref<2048xf32, #tpu.memory_space<hbm>>
        %dma_start3A_23 = tpu.memref_slice %arg6[%multiple_of3A] : memref<1310720xf32, #tpu.memory_space<hbm>> -> memref<2048xf32, #tpu.memory_space<hbm>>
        tpu.enqueue_dma source(%arg10 : memref<2048xf32, #tpu.memory_space<vmem>>) target(%dma_start3A_23 : memref<2048xf32, #tpu.memory_space<hbm>>) target_semaphore(%run_scoped3A : memref<!tpu.dma_semaphore, #tpu.memory_space<semaphore_mem>>)
        %dma_wait3A_24 = tpu.memref_slice %arg6[%multiple_of3A] : memref<1310720xf32, #tpu.memory_space<hbm>> -> memref<2048xf32, #tpu.memory_space<hbm>>
        %dma_wait3A_25 = tpu.memref_slice %arg6[%multiple_of3A] : memref<1310720xf32, #tpu.memory_space<hbm>> -> memref<2048xf32, #tpu.memory_space<hbm>>
        tpu.wait_dma2 semaphore(%run_scoped3A : memref<!tpu.dma_semaphore, #tpu.memory_space<semaphore_mem>>) src(%arg10 : memref<2048xf32, #tpu.memory_space<vmem>>) dst(%dma_wait3A_25 : memref<2048xf32, #tpu.memory_space<hbm>>)
        tpu.yield
      }) : () -> ()
      "tpu.region"() ({
        %run_scoped3A = tpu.sem_alloc : memref<!tpu.dma_semaphore, #tpu.memory_space<semaphore_mem>>
        %dma_start3A_22 = tpu.memref_slice %arg7[%multiple_of3A] : memref<1310720xf32, #tpu.memory_space<hbm>> -> memref<2048xf32, #tpu.memory_space<hbm>>
        %dma_start3A_23 = tpu.memref_slice %arg7[%multiple_of3A] : memref<1310720xf32, #tpu.memory_space<hbm>> -> memref<2048xf32, #tpu.memory_space<hbm>>
        tpu.enqueue_dma source(%arg11 : memref<2048xf32, #tpu.memory_space<vmem>>) target(%dma_start3A_23 : memref<2048xf32, #tpu.memory_space<hbm>>) target_semaphore(%run_scoped3A : memref<!tpu.dma_semaphore, #tpu.memory_space<semaphore_mem>>)
        %dma_wait3A_24 = tpu.memref_slice %arg7[%multiple_of3A] : memref<1310720xf32, #tpu.memory_space<hbm>> -> memref<2048xf32, #tpu.memory_space<hbm>>
        %dma_wait3A_25 = tpu.memref_slice %arg7[%multiple_of3A] : memref<1310720xf32, #tpu.memory_space<hbm>> -> memref<2048xf32, #tpu.memory_space<hbm>>
        tpu.wait_dma2 semaphore(%run_scoped3A : memref<!tpu.dma_semaphore, #tpu.memory_space<semaphore_mem>>) src(%arg11 : memref<2048xf32, #tpu.memory_space<vmem>>) dst(%dma_wait3A_25 : memref<2048xf32, #tpu.memory_space<hbm>>)
        tpu.yield
      }) : () -> ()
      "tpu.region"() ({
        %run_scoped3A = tpu.sem_alloc : memref<!tpu.dma_semaphore, #tpu.memory_space<semaphore_mem>>
        %dma_start3A_22 = tpu.memref_slice %arg8[%multiple_of3A] : memref<1310720xf32, #tpu.memory_space<hbm>> -> memref<2048xf32, #tpu.memory_space<hbm>>
        %dma_start3A_23 = tpu.memref_slice %arg8[%multiple_of3A] : memref<1310720xf32, #tpu.memory_space<hbm>> -> memref<2048xf32, #tpu.memory_space<hbm>>
        tpu.enqueue_dma source(%arg12 : memref<2048xf32, #tpu.memory_space<vmem>>) target(%dma_start3A_23 : memref<2048xf32, #tpu.memory_space<hbm>>) target_semaphore(%run_scoped3A : memref<!tpu.dma_semaphore, #tpu.memory_space<semaphore_mem>>)
        %dma_wait3A_24 = tpu.memref_slice %arg8[%multiple_of3A] : memref<1310720xf32, #tpu.memory_space<hbm>> -> memref<2048xf32, #tpu.memory_space<hbm>>
        %dma_wait3A_25 = tpu.memref_slice %arg8[%multiple_of3A] : memref<1310720xf32, #tpu.memory_space<hbm>> -> memref<2048xf32, #tpu.memory_space<hbm>>
        tpu.wait_dma2 semaphore(%run_scoped3A : memref<!tpu.dma_semaphore, #tpu.memory_space<semaphore_mem>>) src(%arg12 : memref<2048xf32, #tpu.memory_space<vmem>>) dst(%dma_wait3A_25 : memref<2048xf32, #tpu.memory_space<hbm>>)
        tpu.yield
      }) : () -> ()
    }
    %scan3A_5 = arith.constant 20 : i32
    return
  }
}

module attributes {stable_mosaic.version = 14 : i64} {
  func.func @_moments_body(%arg0: i32, %arg1: i32, %arg2: memref<1x1x4096xf32, #tpu.memory_space<vmem>>, %arg3: memref<1x1x4096xf32, #tpu.memory_space<vmem>>, %arg4: memref<1x1x4096xf32, #tpu.memory_space<vmem>>, %arg5: memref<1x4x256xf32, #tpu.memory_space<vmem>>, %arg6: memref<8x8xf32, #tpu.memory_space<vmem>>) attributes {dimension_semantics = [#tpu.dimension_semantics<arbitrary>, #tpu.dimension_semantics<arbitrary>], iteration_bounds = array<i64: 2, 160>, scalar_prefetch = 0 : i64, scratch_operands = 0 : i64, tpu.core_type = #tpu.core_type<tc>, window_params = [{transform_indices = @transform_0, window_bounds = array<i64: 1, 1, 4096>}, {transform_indices = @transform_1, window_bounds = array<i64: 1, 1, 4096>}, {transform_indices = @transform_2, window_bounds = array<i64: 1, 1, 4096>}, {transform_indices = @transform_3, window_bounds = array<i64: 1, 4, 256>}, {pipeline_mode = #tpu.pipeline_mode<synchronous>, transform_indices = @transform_4, window_bounds = array<i64: 8, 8>}]} {
    %get3A = arith.constant 0 : index
    %get3A_0 = arith.constant 0 : index
    %get3A_1 = arith.constant 0 : index
    %get3A_2 = vector.load %arg2[%get3A, %get3A_0, %get3A_1] : memref<1x1x4096xf32, #tpu.memory_space<vmem>>, vector<1x1x4096xf32>
    %get3A_3 = vector.shape_cast %get3A_2 : vector<1x1x4096xf32> to vector<1x4096xf32>
    %get3A_4 = arith.constant 0 : index
    %get3A_5 = arith.constant 0 : index
    %get3A_6 = arith.constant 0 : index
    %get3A_7 = vector.load %arg3[%get3A_4, %get3A_5, %get3A_6] : memref<1x1x4096xf32, #tpu.memory_space<vmem>>, vector<1x1x4096xf32>
    %get3A_8 = vector.shape_cast %get3A_7 : vector<1x1x4096xf32> to vector<1x4096xf32>
    %get3A_9 = arith.constant 0 : index
    %get3A_10 = arith.constant 0 : index
    %get3A_11 = arith.constant 0 : index
    %get3A_12 = vector.load %arg4[%get3A_9, %get3A_10, %get3A_11] : memref<1x1x4096xf32, #tpu.memory_space<vmem>>, vector<1x1x4096xf32>
    %get3A_13 = vector.shape_cast %get3A_12 : vector<1x1x4096xf32> to vector<1x4096xf32>
    %concatenate3A = tpu.concatenate %get3A_3, %get3A_8, %get3A_13 in 0 : vector<1x4096xf32>, vector<1x4096xf32>, vector<1x4096xf32> -> vector<3x4096xf32>
    %get3A_14 = arith.constant 0 : index
    %get3A_15 = arith.constant 0 : index
    %get3A_16 = arith.constant 0 : index
    %get3A_17 = vector.load %arg5[%get3A_14, %get3A_15, %get3A_16] : memref<1x4x256xf32, #tpu.memory_space<vmem>>, vector<1x4x256xf32>
    %get3A_18 = vector.shape_cast %get3A_17 : vector<1x4x256xf32> to vector<4x256xf32>
    %slice3A = vector.extract_strided_slice %get3A_18 {offsets = [0, 0], sizes = [3, 256], strides = [1, 1]} : vector<4x256xf32> to vector<3x256xf32>
    %broadcast_in_dim3A = vector.shape_cast %slice3A : vector<3x256xf32> to vector<3x256x1xf32>
    %broadcast_in_dim3A_19 = vector.shape_cast %broadcast_in_dim3A : vector<3x256x1xf32> to vector<3x256x1xf32>
    %broadcast_in_dim3A_20 = vector.broadcast %broadcast_in_dim3A_19 : vector<3x256x1xf32> to vector<3x256x16xf32>
    %reshape3A = vector.shape_cast %broadcast_in_dim3A_20 : vector<3x256x16xf32> to vector<3x4096xf32>
    %sub3A = arith.subf %reshape3A, %concatenate3A : vector<3x4096xf32>
    %mul3A = arith.mulf %sub3A, %sub3A : vector<3x4096xf32>
    %reduce_sum3A = arith.constant dense<0.000000e+00> : vector<4096xf32>
    %reduce_sum3A_21 = vector.multi_reduction <add>, %mul3A, %reduce_sum3A [0] : vector<3x4096xf32> to vector<4096xf32>
    %broadcast_in_dim3A_22 = vector.shape_cast %reduce_sum3A_21 : vector<4096xf32> to vector<1x4096xf32>
    %sqrt3A = math.sqrt %broadcast_in_dim3A_22 : vector<1x4096xf32>
    %broadcast_in_dim3A_23 = arith.constant 1.000000e+00 : f32
    %broadcast_in_dim3A_24 = vector.broadcast %broadcast_in_dim3A_23 : f32 to vector<1x4096xf32>
    %concatenate3A_25 = tpu.concatenate %sqrt3A, %reshape3A, %concatenate3A, %broadcast_in_dim3A_24 in 0 : vector<1x4096xf32>, vector<3x4096xf32>, vector<3x4096xf32>, vector<1x4096xf32> -> vector<8x4096xf32>
    %dot_general3A = arith.constant dense<0.000000e+00> : vector<8x8xf32>
    %dot_general3A_26 = tpu.matmul %concatenate3A_25, %concatenate3A_25, %dot_general3A {dimension_numbers = #tpu.dot_dimension_numbers<[1], [1], [0], [0], [0, 0, 1, 0], [], []>, precision = #tpu.contract_precision<fp32>, transpose_lhs_hint = false} : vector<8x4096xf32>, vector<8x4096xf32>, vector<8x8xf32> -> vector<8x8xf32>
    %eq3A = arith.constant 0 : i32
    %eq3A_27 = arith.cmpi eq, %arg0, %eq3A : i32
    %eq3A_28 = arith.constant 0 : i32
    %eq3A_29 = arith.cmpi eq, %arg1, %eq3A_28 : i32
    %and3A = arith.andi %eq3A_27, %eq3A_29 : i1
    %convert_element_type3A = arith.extui %and3A : i1 to i32
    %cond3A = arith.constant 0 : i32
    %cond3A_30 = arith.cmpi ne, %convert_element_type3A, %cond3A : i32
    scf.if %cond3A_30 {
      %broadcast_in_dim3A_36 = arith.constant 0.000000e+00 : f32
      %broadcast_in_dim3A_37 = vector.broadcast %broadcast_in_dim3A_36 : f32 to vector<8x8xf32>
      %swap3A_38 = arith.constant 0 : index
      %swap3A_39 = arith.constant 0 : index
      %swap3A_40 = vector.load %arg6[%swap3A_38, %swap3A_39] : memref<8x8xf32, #tpu.memory_space<vmem>>, vector<8x8xf32>
      tpu.vector_store %arg6[%swap3A_38, %swap3A_39], %broadcast_in_dim3A_37 {strides = array<i32>} : memref<8x8xf32, #tpu.memory_space<vmem>>, vector<8x8xf32>,
    } else {
    }
    %get3A_31 = arith.constant 0 : index
    %get3A_32 = arith.constant 0 : index
    %get3A_33 = vector.load %arg6[%get3A_31, %get3A_32] : memref<8x8xf32, #tpu.memory_space<vmem>>, vector<8x8xf32>
    %add3A = arith.addf %get3A_33, %dot_general3A_26 : vector<8x8xf32>
    %swap3A = arith.constant 0 : index
    %swap3A_34 = arith.constant 0 : index
    %swap3A_35 = vector.load %arg6[%swap3A, %swap3A_34] : memref<8x8xf32, #tpu.memory_space<vmem>>, vector<8x8xf32>
    tpu.vector_store %arg6[%swap3A, %swap3A_34], %add3A {strides = array<i32>} : memref<8x8xf32, #tpu.memory_space<vmem>>, vector<8x8xf32>,
    return
  }
  func.func @transform_0(%arg0: i32, %arg1: i32) -> (i32, i32, i32) {
    %c0_i32 = arith.constant 0 : i32
    %c0_i32_0 = arith.constant 0 : i32
    return %arg0, %c0_i32, %arg1 : i32, i32, i32
  }
  func.func @transform_1(%arg0: i32, %arg1: i32) -> (i32, i32, i32) {
    %c0_i32 = arith.constant 0 : i32
    %c0_i32_0 = arith.constant 0 : i32
    return %arg0, %c0_i32, %arg1 : i32, i32, i32
  }
  func.func @transform_2(%arg0: i32, %arg1: i32) -> (i32, i32, i32) {
    %c0_i32 = arith.constant 0 : i32
    %c0_i32_0 = arith.constant 0 : i32
    return %arg0, %c0_i32, %arg1 : i32, i32, i32
  }
  func.func @transform_3(%arg0: i32, %arg1: i32) -> (i32, i32, i32) {
    %c0_i32 = arith.constant 0 : i32
    %c0_i32_0 = arith.constant 0 : i32
    return %arg0, %c0_i32, %arg1 : i32, i32, i32
  }
  func.func @transform_4(%arg0: i32, %arg1: i32) -> (i32, i32) {
    %c0_i32 = arith.constant 0 : i32
    %c0_i32_0 = arith.constant 0 : i32
    %c0_i32_1 = arith.constant 0 : i32
    return %c0_i32, %c0_i32_0 : i32, i32
  }
}

module attributes {stable_mosaic.version = 14 : i64} {
  func.func @_apply_body(%arg0: i32, %arg1: i32, %arg2: memref<1x1x4096xf32, #tpu.memory_space<vmem>>, %arg3: memref<1x1x4096xf32, #tpu.memory_space<vmem>>, %arg4: memref<1x1x4096xf32, #tpu.memory_space<vmem>>, %arg5: memref<1x4x256xf32, #tpu.memory_space<vmem>>, %arg6: memref<16x8xf32, #tpu.memory_space<vmem>>, %arg7: memref<1x16x4096xf32, #tpu.memory_space<vmem>>) attributes {dimension_semantics = [#tpu.dimension_semantics<arbitrary>, #tpu.dimension_semantics<arbitrary>], iteration_bounds = array<i64: 2, 160>, scalar_prefetch = 0 : i64, scratch_operands = 0 : i64, tpu.core_type = #tpu.core_type<tc>, window_params = [{transform_indices = @transform_0, window_bounds = array<i64: 1, 1, 4096>}, {transform_indices = @transform_1, window_bounds = array<i64: 1, 1, 4096>}, {transform_indices = @transform_2, window_bounds = array<i64: 1, 1, 4096>}, {transform_indices = @transform_3, window_bounds = array<i64: 1, 4, 256>}, {pipeline_mode = #tpu.pipeline_mode<synchronous>, transform_indices = @transform_4, window_bounds = array<i64: 16, 8>}, {transform_indices = @transform_5, window_bounds = array<i64: 1, 16, 4096>}]} {
    %get3A = arith.constant 0 : index
    %get3A_0 = arith.constant 0 : index
    %get3A_1 = arith.constant 0 : index
    %get3A_2 = vector.load %arg2[%get3A, %get3A_0, %get3A_1] : memref<1x1x4096xf32, #tpu.memory_space<vmem>>, vector<1x1x4096xf32>
    %get3A_3 = vector.shape_cast %get3A_2 : vector<1x1x4096xf32> to vector<1x4096xf32>
    %get3A_4 = arith.constant 0 : index
    %get3A_5 = arith.constant 0 : index
    %get3A_6 = arith.constant 0 : index
    %get3A_7 = vector.load %arg3[%get3A_4, %get3A_5, %get3A_6] : memref<1x1x4096xf32, #tpu.memory_space<vmem>>, vector<1x1x4096xf32>
    %get3A_8 = vector.shape_cast %get3A_7 : vector<1x1x4096xf32> to vector<1x4096xf32>
    %get3A_9 = arith.constant 0 : index
    %get3A_10 = arith.constant 0 : index
    %get3A_11 = arith.constant 0 : index
    %get3A_12 = vector.load %arg4[%get3A_9, %get3A_10, %get3A_11] : memref<1x1x4096xf32, #tpu.memory_space<vmem>>, vector<1x1x4096xf32>
    %get3A_13 = vector.shape_cast %get3A_12 : vector<1x1x4096xf32> to vector<1x4096xf32>
    %concatenate3A = tpu.concatenate %get3A_3, %get3A_8, %get3A_13 in 0 : vector<1x4096xf32>, vector<1x4096xf32>, vector<1x4096xf32> -> vector<3x4096xf32>
    %get3A_14 = arith.constant 0 : index
    %get3A_15 = arith.constant 0 : index
    %get3A_16 = arith.constant 0 : index
    %get3A_17 = vector.load %arg5[%get3A_14, %get3A_15, %get3A_16] : memref<1x4x256xf32, #tpu.memory_space<vmem>>, vector<1x4x256xf32>
    %get3A_18 = vector.shape_cast %get3A_17 : vector<1x4x256xf32> to vector<4x256xf32>
    %slice3A = vector.extract_strided_slice %get3A_18 {offsets = [0, 0], sizes = [3, 256], strides = [1, 1]} : vector<4x256xf32> to vector<3x256xf32>
    %broadcast_in_dim3A = vector.shape_cast %slice3A : vector<3x256xf32> to vector<3x256x1xf32>
    %broadcast_in_dim3A_19 = vector.shape_cast %broadcast_in_dim3A : vector<3x256x1xf32> to vector<3x256x1xf32>
    %broadcast_in_dim3A_20 = vector.broadcast %broadcast_in_dim3A_19 : vector<3x256x1xf32> to vector<3x256x16xf32>
    %reshape3A = vector.shape_cast %broadcast_in_dim3A_20 : vector<3x256x16xf32> to vector<3x4096xf32>
    %sub3A = arith.subf %reshape3A, %concatenate3A : vector<3x4096xf32>
    %mul3A = arith.mulf %sub3A, %sub3A : vector<3x4096xf32>
    %reduce_sum3A = arith.constant dense<0.000000e+00> : vector<4096xf32>
    %reduce_sum3A_21 = vector.multi_reduction <add>, %mul3A, %reduce_sum3A [0] : vector<3x4096xf32> to vector<4096xf32>
    %broadcast_in_dim3A_22 = vector.shape_cast %reduce_sum3A_21 : vector<4096xf32> to vector<1x4096xf32>
    %sqrt3A = math.sqrt %broadcast_in_dim3A_22 : vector<1x4096xf32>
    %broadcast_in_dim3A_23 = arith.constant 1.000000e+00 : f32
    %broadcast_in_dim3A_24 = vector.broadcast %broadcast_in_dim3A_23 : f32 to vector<1x4096xf32>
    %concatenate3A_25 = tpu.concatenate %sqrt3A, %reshape3A, %concatenate3A, %broadcast_in_dim3A_24 in 0 : vector<1x4096xf32>, vector<3x4096xf32>, vector<3x4096xf32>, vector<1x4096xf32> -> vector<8x4096xf32>
    %get3A_26 = arith.constant 0 : index
    %get3A_27 = arith.constant 0 : index
    %get3A_28 = vector.load %arg6[%get3A_26, %get3A_27] : memref<16x8xf32, #tpu.memory_space<vmem>>, vector<16x8xf32>
    %dot_general3A = arith.constant dense<0.000000e+00> : vector<16x4096xf32>
    %dot_general3A_29 = tpu.matmul %get3A_28, %concatenate3A_25, %dot_general3A {dimension_numbers = #tpu.dot_dimension_numbers<[1], [0], [0], [1], [0, 0, 1, 1], [], []>, precision = #tpu.contract_precision<fp32>, transpose_lhs_hint = false} : vector<16x8xf32>, vector<8x4096xf32>, vector<16x4096xf32> -> vector<16x4096xf32>
    %max3A = arith.constant 0.000000e+00 : f32
    %max3A_30 = vector.broadcast %max3A : f32 to vector<16x4096xf32>
    %max3A_31 = arith.maximumf %dot_general3A_29, %max3A_30 : vector<16x4096xf32>
    %swap3A = arith.constant 0 : index
    %swap3A_32 = arith.constant 0 : index
    %swap3A_33 = arith.constant 0 : index
    %swap3A_34 = vector.load %arg7[%swap3A, %swap3A_32, %swap3A_33] : memref<1x16x4096xf32, #tpu.memory_space<vmem>>, vector<1x16x4096xf32>
    %swap3A_35 = vector.shape_cast %swap3A_34 : vector<1x16x4096xf32> to vector<16x4096xf32>
    %swap3A_36 = vector.shape_cast %max3A_31 : vector<16x4096xf32> to vector<1x16x4096xf32>
    tpu.vector_store %arg7[%swap3A, %swap3A_32, %swap3A_33], %swap3A_36 {strides = array<i32>} : memref<1x16x4096xf32, #tpu.memory_space<vmem>>, vector<1x16x4096xf32>,
    return
  }
  func.func @transform_0(%arg0: i32, %arg1: i32) -> (i32, i32, i32) {
    %c0_i32 = arith.constant 0 : i32
    %c0_i32_0 = arith.constant 0 : i32
    return %arg0, %c0_i32, %arg1 : i32, i32, i32
  }
  func.func @transform_1(%arg0: i32, %arg1: i32) -> (i32, i32, i32) {
    %c0_i32 = arith.constant 0 : i32
    %c0_i32_0 = arith.constant 0 : i32
    return %arg0, %c0_i32, %arg1 : i32, i32, i32
  }
  func.func @transform_2(%arg0: i32, %arg1: i32) -> (i32, i32, i32) {
    %c0_i32 = arith.constant 0 : i32
    %c0_i32_0 = arith.constant 0 : i32
    return %arg0, %c0_i32, %arg1 : i32, i32, i32
  }
  func.func @transform_3(%arg0: i32, %arg1: i32) -> (i32, i32, i32) {
    %c0_i32 = arith.constant 0 : i32
    %c0_i32_0 = arith.constant 0 : i32
    return %arg0, %c0_i32, %arg1 : i32, i32, i32
  }
  func.func @transform_4(%arg0: i32, %arg1: i32) -> (i32, i32) {
    %c0_i32 = arith.constant 0 : i32
    %c0_i32_0 = arith.constant 0 : i32
    %c0_i32_1 = arith.constant 0 : i32
    return %c0_i32, %c0_i32_0 : i32, i32
  }
  func.func @transform_5(%arg0: i32, %arg1: i32) -> (i32, i32, i32) {
    %c0_i32 = arith.constant 0 : i32
    %c0_i32_0 = arith.constant 0 : i32
    return %arg0, %c0_i32, %arg1 : i32, i32, i32
  }
}

</mosaic_0001>

<sc_bundles>
// kernel: kernel.5.cloned.1.call-start
scs
__scs_entry_jumppad:
0x0: {  	(pc) =	sbr.rel $0x88, $3  }
0x1: {  	(tag) =	ssettag $0x0;
	lr =	simm.s32 $0x1  }
0x2: {  	[smem:$0x3F9B] =	sst lr;
	_ =	strace $0xD0000000  }
0x3: {  	_ = 	snop  }
0x4: {  	_ = 	snop  }
0x5: {  	_ = 	snop  }
0x6: {  	_ = 	snop  }
0x7: {  	_ = 	snop  }
__scs_overlays_trampoline_lowered:
0x8: {  	[smem:$0x3FAA] =	sst s0  }
0x9: {  	[smem:$0x3FAB] =	sst s1  }
0xa: {  	[smem:$0x3FAC] =	sst s2  }
0xb: {  	[smem:$0x3FAD] =	sst s3  }
0xc: {  	[smem:$0x3FAE] =	sst s4  }
0xd: {  	[smem:$0x3FAF] =	sst s5  }
0xe: {  	[smem:$0x3FB0] =	sst s6  }
0xf: {  	[smem:$0x3FB1] =	sst s7  }
0x10: {  	[smem:$0x3FB2] =	sst s8  }
0x11: {  	[smem:$0x3FB3] =	sst s9;
	s0 =	simm.s32 @!p0 $0x0  }
0x12: {  	s1 =	sld [smem:$0x3F99];
	s0 =	simm.s32 @p0 $0x1  }
0x13: {  	[smem:$0x3FB4] =	sst s0;
	s0 =	simm.s32 @!p1 $0x0  }
0x14: {  	s2 =	sld [smem:$0x3F98];
	s0 =	simm.s32 @p1 $0x1  }
0x15: {  	[smem:$0x3FB5] =	sst s0;
	s0 =	simm.s32 @!p2 $0x0  }
0x16: {  	s3 =	sld [smem:$0x3FDB];
	s0 =	simm.s32 @p2 $0x1  }
0x17: {  	s4 =	simm.s32 $0x1BF5;
	[smem:$0x3FB7] =	sst s0  }
0x18: {  	s0 =	sld [smem:$0x3F9A];
	_ =	swait.ge [sflag:s4], $0x0  }
0x19: {  	s7 =	sld [smem:$0x3F9B]  }
0x1a: {  	s8 =	sadd.s32 $0xFFFFE003, lr  }
0x1b: {  	s9 =	sadd.s32 $0xFFFFFEF7, lr;
	s5 =	simm.s32 $0xFFFFFFFF;
	p2 =	slt.u32 s8, $0xFFFFF086  }
0x1c: {  	p1 =	slt.u32 s9, $0xF7A;
	s5 =	simm.s32 @!p2 $0x0  }
0x1d: {  	s5 =	simm.s32 @p1 $0x1;
	p0 =	seq.s32 s7, s2  }
0x1e: {  	s7 =	smul.u32 @!p0 $0xF7A, s2;
	p2 =	seq.s32 @!p0 s5, $0x0  }
0x1f: {  	s9 =	smul.u32 $0xF7A, s1;
	s8 =	simm.s32 @!p0 $0x1BF5;
	p2 =	por !p2, p0  }
0x20: {  	[sflag:s8] =	ssyncset.s32 @!p0 $0xFFFFF086;
	s6 =	sadd.s32 @!p0 s3, s7;
	s7 =	simm.s32 @!p0 $0x108  }
0x21: {  	s3 =	sadd.s32 s3, s9;
	s6 =	sadd.s32 @!p0 $0x88, s6;
	s7 =	simm.s32 @p2 $0x1082  }
0x22: {  	[simem:s7], [sflag:s8] =	dma.local @!p0 [hbm:s6], $0xF7A  }
0x23: {  	s9 =	sor.u32 $0xD0000000, s2;
	s6 =	simm.s32 $0x108;
	_ =	swait.ge @!p0 [sflag:s8], $0x0  }
0x24: {  	s3 =	sadd.s32 $0x88, s3;
	s6 =	simm.s32 @!p1 $0x1082;
	[sflag:s4] =	ssyncset.s32 $0xFFFFF086  }
0x25: {  	[simem:s6], [sflag:s4] =	dma.local [hbm:s3], $0xF7A  }
0x26: {  	[smem:$0x3F9B] =	sst s1;
	(tag) =	ssettag s2;
	_ =	strace s9  }
0x27: {  	s1 =	sld [smem:$0x3FAB]  }
0x28: {  	s2 =	sld [smem:$0x3FAC]  }
0x29: {  	s4 =	sld [smem:$0x3FAE]  }
0x2a: {  	p0 =	seq.s32 s5, $0x0;
	s5 =	sld [smem:$0x3FAF]  }
0x2b: {  	s6 =	sld [smem:$0x3FB0]  }
0x2c: {  	s7 =	sld [smem:$0x3FB1]  }
0x2d: {  	s3 =	simm.s32 $0x108;
	s8 =	sld [smem:$0x3FB2]  }
0x2e: {  	s3 =	simm.s32 @!p0 $0x1082;
	s9 =	sld [smem:$0x3FB3]  }
0x2f: {  	lr =	sadd.s32 s0, s3;
	s0 =	sld [smem:$0x3FAA]  }
0x30: {  	s3 =	sld [smem:$0x3FAD]  }
0x31: {  	[smem:$0x3FB6] =	sst s10  }
0x32: {  	s10 =	sld [smem:$0x3FB4];
	_ =	sdelay $0x3  }
0x33: {  	p0 =	seq.s32 s10, $0x1;
	s10 =	sld [smem:$0x3FB6];
	_ =	sdelay $0x3  }
0x34: {  	[smem:$0x3FB6] =	sst s10  }
0x35: {  	s10 =	sld [smem:$0x3FB5];
	_ =	sdelay $0x3  }
0x36: {  	p1 =	seq.s32 s10, $0x1;
	s10 =	sld [smem:$0x3FB6];
	_ =	sdelay $0x3  }
0x37: {  	[smem:$0x3FB6] =	sst s10  }
0x38: {  	s10 =	sld [smem:$0x3FB7]  }
0x39: {  	_ = 	snop;
	(pc) =	sbr.ind lr, $3  }
0x3a: {  	_ = 	snop  }
0x3b: {  	_ = 	snop  }
0x3c: {  	p2 =	seq.s32 s10, $0x1;
	s10 =	sld [smem:$0x3FB6]  }
0x3d: {  	_ =	shalt  }
0x3e: {  	_ =	shalt  }
0x3f: {  	_ =	shalt  }
0x40: {  	_ =	shalt  }
0x41: {  	_ =	shalt  }
0x42: {  	_ =	shalt  }
0x43: {  	_ =	shalt  }
0x44: {  	_ =	shalt  }
0x45: {  	_ =	shalt  }
0x46: {  	_ =	shalt  }
0x47: {  	_ =	shalt  }
0x48: {  	_ =	shalt  }
0x49: {  	_ =	shalt  }
0x4a: {  	_ =	shalt  }
0x4b: {  	_ =	shalt  }
0x4c: {  	_ =	shalt  }
0x4d: {  	_ =	shalt  }
0x4e: {  	_ =	shalt  }
0x4f: {  	_ =	shalt  }
0x50: {  	_ =	shalt  }
0x51: {  	_ =	shalt  }
0x52: {  	_ =	shalt  }
0x53: {  	_ =	shalt  }
0x54: {  	_ =	shalt  }
0x55: {  	_ =	shalt  }
0x56: {  	_ =	shalt  }
0x57: {  	_ =	shalt  }
0x58: {  	_ =	shalt  }
0x59: {  	_ =	shalt  }
0x5a: {  	_ =	shalt  }
0x5b: {  	_ =	shalt  }
0x5c: {  	_ =	shalt  }
0x5d: {  	_ =	shalt  }
0x5e: {  	_ =	shalt  }
0x5f: {  	_ =	shalt  }
0x60: {  	_ =	shalt  }
0x61: {  	_ =	shalt  }
0x62: {  	_ =	shalt  }
0x63: {  	_ =	shalt  }
0x64: {  	_ =	shalt  }
0x65: {  	_ =	shalt  }
0x66: {  	_ =	shalt  }
0x67: {  	_ =	shalt  }
0x68: {  	_ =	shalt  }
0x69: {  	_ =	shalt  }
0x6a: {  	_ =	shalt  }
0x6b: {  	_ =	shalt  }
0x6c: {  	_ =	shalt  }
0x6d: {  	_ =	shalt  }
0x6e: {  	_ =	shalt  }
0x6f: {  	_ =	shalt  }
0x70: {  	_ =	shalt  }
0x71: {  	_ =	shalt  }
0x72: {  	_ =	shalt  }
0x73: {  	_ =	shalt  }
0x74: {  	_ =	shalt  }
0x75: {  	_ =	shalt  }
0x76: {  	_ =	shalt  }
0x77: {  	_ =	shalt  }
0x78: {  	_ =	shalt  }
0x79: {  	_ =	shalt  }
0x7a: {  	_ =	shalt  }
0x7b: {  	_ =	shalt  }
0x7c: {  	_ =	shalt  }
0x7d: {  	_ =	shalt  }
0x7e: {  	_ =	shalt  }
0x7f: {  	_ =	shalt  }
0x80: {  	_ =	shalt  }
0x81: {  	_ =	shalt  }
0x82: {  	_ =	shalt  }
0x83: {  	_ =	shalt  }
0x84: {  	_ =	shalt  }
0x85: {  	_ =	shalt  }
0x86: {  	_ =	shalt  }
0x87: {  	_ =	shalt  }
.Lfunc_end0:
.L_simem_size_0:
called_computation.1_lowered:
.L_overlay_start_0:
0x88: {  	s2 =	sld [smem:$0x3FD9]  }
0x89: {  	s3 =	sld [smem:$0x3FFE];
	_ =	sdelay $0x1  }
0x8a: {  	s1 =	srdreg.scid  }
0x8b: {  	s0 =	sand.u32 $0x1, s1  }
0x8c: {  	s17 =	sshll.u32 s0, $0xA;
	s2 =	sadd.s32 s3, s2  }
0x8d: {  	s2 =	sadd.s32 s2, s17  }
0x8e: {  	[smem:$0x3FC2] =	sst s2  }
0x8f: {  	_ = 	snop  }
0x90: {  	s2 =	sld [smem:$0x3FD0];
	(tm) =	ssettm $0x1  }
0x91: {  	s18 =	sld [smem:$0x3FFB];
	_ =	sdelay $0x3  }
0x92: {  	_ =	strace s18  }
0x93: {  	s3 =	sld [smem:$0x3FFC];
	_ =	sdelay $0x3  }
0x94: {  	_ =	strace s3  }
0x95: {  	s3 =	sld [smem:$0x3FFD];
	_ =	sdelay $0x3  }
0x96: {  	_ =	strace s3  }
0x97: {  	_ =	strace $0x8FFFFFFF  }
0x98: {  	s19 =	sld [smem:$0x3FDB];
	_ =	sdelay $0x1  }
0x99: {  	s4 =	simm.s32 $_scs_section_size  }
0x9a: {  	s5 =	simm.s32 $_size__tile_overlayer_lowered;
	s6 =	simm.s32 $_tile_overlayer_lowered  }
0x9b: {  	s22 =	simm.s32 $0x1BFF;
	s21 =	sshll.u32 s6, $0x1;
	s3 =	sadd.s32 s4, s19  }
0x9c: {  	s7 =	simm.s32 $0x0;
	s20 =	sshll.u32 s5, $0x1;
	s5 =	sadd.s32 s21, s3  }
0x9d: {  	[timem:s7], [sflag:s22] =	dma.local [hbm:s5], s20  }
0x9e: {  	_ =	swait.ge [sflag:s22], s20  }
0x9f: {  	s4 =	ssub.s32 $0x0, s20;
	[sflag:s22] =	ssyncset.done $0x0  }
0xa0: {  	[sflag:s22] =	ssyncadd.s32 s4;
	_ =	sdelay $0x1  }
0xa1: {  	s23 =	simm.s32 $0x1B8B  }
0xa2: {  	_ =	swait.ge [sflag:s23], $0x1  }
0xa3: {  	[sflag:s23] =	ssyncset.done $0x0  }
0xa4: {  	s25 =	simm.s32 $0x1B8E;
	s24 =	sld [smem:$0x3FFE];
	[sflag:s23] =	ssyncadd.s32 $0xFFFFFFFF  }
0xa5: {  	s26 =	simm.s32 $execute0_lowered;
	[smem:$0x3FD2] =	sst s25  }
0xa6: {  	s5 =	sshll.u32 s26, $0x1;
	_ =	strace $0x80000046;
	[dreg:$0x1] =	wrdreg $0xFFFFFFFF  }
0xa7: {  	s28 =	simm.s32 $_size_execute0_lowered;
	s3 =	sadd.s32 s3, s5;
	[dreg:$0x0] =	wrdreg $0x0  }
0xa8: {  	s5 =	sshll.u32 s28, $0x1;
	[dreg:$0x2] =	wrdreg s3  }
0xa9: {  	[dreg:$0x3] =	wrdreg s5  }
0xaa: {  	[dreg:$0x4] =	wrdreg $0xC0  }
0xab: {  	_ =	task [dreg:s7], $0x5FFFF  }
0xac: {  	[dreg:$0x1] =	wrdreg $0xFFFFFFFF  }
0xad: {  	[dreg:$0x0] =	wrdreg $0x60  }
0xae: {  	[dreg:$0x2] =	wrdreg s24  }
0xaf: {  	[dreg:$0x3] =	wrdreg s2  }
0xb0: {  	[dreg:$0x4] =	wrdreg $0x9  }
0xb1: {  	_ =	task.clear_ibuf [dreg:s7], $0x5FFFF;
	_ =	strace $0x90000046  }
0xb2: {  	s29 =	simm.s32 $0x9;
	_ =	strace $0x80000048  }
0xb3: {  	_ =	swait.ge [sflag:s29], $0x1  }
0xb4: {  	[sflag:s29] =	ssyncadd.s32 $0xFFFFFFFF  }
0xb5: {  	_ =	strace $0x90000048  }
0xb6: {  	_ =	sfence  }
0xb7: {  	s30 =	sld [smem:$0x0];
	_ =	sdelay $0x2  }
0xb8: {  	s31 =	sshll.u32 s1, $0xD;
	s1 =	sshrl.u32 s1, $0x2  }
0xb9: {  	s3 =	sand.u32 $0x4000, s31;
	s1 =	sadd.s32 s1, s30  }
0xba: {  	s0 =	sor.u32 s3, s0;
	s1 =	sshll.u32 s1, $0x11  }
0xbb: {  	s0 =	sor.u32 s1, s0  }
0xbc: {  	s0 =	sadd.s32 $0x8F2B, s0  }
0xbd: {  	[sflag:s0] =	ssyncadd.remote.s32 $0x1  }
0xbe: {  	_ =	sfence.sel $0xFFFF  }
0xbf: {  	[dreg:$0x0] =	wrdreg $0xFFFFFFFF;
	(pc) =	sbr.abs _section_cstart, $3  }
0xc0: {  	[dreg:$0x1] =	wrdreg $0xFFFFFFFF  }
0xc1: {  	_ =	task.clear_ibuf [dreg:s7], $0x2FFFF;
	_ =	strace $0x9FFFFFFF  }
0xc2: {  	(tm) =	ssettm $0x7FFFFFFF  }
0xc3: {  	_ =	shalt  }
tec
execute0_lowered:
.L_overlay_start_1:
0x0: {  	(tag) =	ssettag $0x1  }
0x1: {  	s5 =	rddreg [dreg:$0x0];
	s1 =	srdreg.scid  }
0x2: {  	s0 =	stileid.u32;
	s10 =	rddreg [dreg:$0x1]  }
0x3: {  	s2 =	simm.s32 $0x0;
	s12 =	simm.s32 $0x800;
	s13 =	simm.s32 $0x1000  }
0x4: {  	s14 =	simm.s32 $0x1800;
	s3 =	sand.u32 $0x1, s1;
	s4 =	smul.u32 $0x14000, s0  }
0x5: {  	s15 =	simm.s32 $0x1;
	s1 =	rddreg [dreg:$0x2];
	s6 =	smul.u32 $0xA000, s3  }
0x6: {  	s16 =	simm.s32 $0x0;
	[smem:$0x7FF] =	sst s2;
	s31 =	ssub.s32 $0x2, s3  }
0x7: {  	_ =	strace $0x80000047;
	s7 =	sshrl.u32 s31, $0x1;
	s4 =	sadd.s32 s6, s4  }
0x8: {  	s3 =	sadd.s32 $0x7600, s5;
	s6 =	ssub.s32 s31, s7;
	s11 =	sshrl.u32 s4, $0x3  }
0x9: {  	s4 =	sadd.s32 $0x4E00, s5;
	s6 =	smax.u32 s6, $0x1;
	s9 =	sadd.s32 s11, s5  }
0xa: {  	s5 =	sadd.s32 $0x2600, s5;
	s10 =	sadd.s32 s11, s10;
	s11 =	simm.s32 $0x2  }
0xb: {  	s7 =	sadd.s32 $0x59E00, s9;
	s8 =	sadd.s32 $0x31E00, s9;
	s9 =	sadd.s32 $0x9E00, s9  }
.LBB2_1:
0xc: {  	s17 =	sadd.s32 $0x0, s10  }
0xd: {  	[tilespmem:s2], [sflag:$0x2] =	stream.linear.gather [hbm4b:s17+s2], $0x800, $0x38;
	[tilespmem:$0x2000] =	vst v63  }
0xe: {  	_ =	swait.ge [sflag:s11], $0x800  }
0xf: {  	[sflag:s11] =	ssyncset.done $0x0  }
0x10: {  	[sflag:s11] =	ssyncadd.s32 $0xFFFFF800  }
0x11: {  	[tilespmem:s12], [sflag:$0x1] =	stream.indirect.gather [hbm4b:s3+s12], $0x1, s2, s12, $0xb8;
	[tilespmem:$0x2000] =	vst v63  }
0x12: {  	_ = 	snop  }
0x13: {  	[tilespmem:s13], [sflag:$0x1] =	stream.indirect.gather [hbm4b:s4+s12], $0x1, s2, s12, $0xb8;
	[tilespmem:$0x2000] =	vst v63  }
0x14: {  	_ = 	snop  }
0x15: {  	[tilespmem:s14], [sflag:$0x1] =	stream.indirect.gather [hbm4b:s5+s12], $0x1, s2, s12, $0xb8;
	[tilespmem:$0x2000] =	vst v63  }
0x16: {  	_ =	swait.ge [sflag:s15], $0x800  }
0x17: {  	[sflag:s15] =	ssyncset.done $0x0  }
0x18: {  	[sflag:s15] =	ssyncadd.s32 $0xFFFFF800  }
0x19: {  	_ =	swait.ge [sflag:s15], $0x800  }
0x1a: {  	[sflag:s15] =	ssyncset.done $0x0  }
0x1b: {  	[sflag:s15] =	ssyncadd.s32 $0xFFFFF800  }
0x1c: {  	_ =	swait.ge [sflag:s15], $0x800  }
0x1d: {  	[sflag:s15] =	ssyncset.done $0x0  }
0x1e: {  	s29 =	sadd.s32 $0x0, s9;
	[sflag:s15] =	ssyncadd.s32 $0xFFFFF800  }
0x1f: {  	[hbm4b:s29+s2] =	stream.linear.scatter [tilespmem:s12], [sflag:$0x2], $0x800, $0x38;
	[tilespmem:$0x2000] =	vst v63  }
0x20: {  	_ =	swait.ge [sflag:s11], $0x800  }
0x21: {  	[sflag:s11] =	ssyncset.done $0x0  }
0x22: {  	s30 =	sadd.s32 $0x0, s8;
	[sflag:s11] =	ssyncadd.s32 $0xFFFFF800  }
0x23: {  	[hbm4b:s30+s2] =	stream.linear.scatter [tilespmem:s13], [sflag:$0x2], $0x800, $0x38;
	[tilespmem:$0x2000] =	vst v63  }
0x24: {  	_ =	swait.ge [sflag:s11], $0x800  }
0x25: {  	[sflag:s11] =	ssyncset.done $0x0  }
0x26: {  	s31 =	sadd.s32 $0x0, s7;
	[sflag:s11] =	ssyncadd.s32 $0xFFFFF800  }
0x27: {  	[hbm4b:s31+s2] =	stream.linear.scatter [tilespmem:s14], [sflag:$0x2], $0x800, $0x38;
	[tilespmem:$0x2000] =	vst v63  }
0x28: {  	_ =	swait.ge [sflag:s11], $0x800  }
0x29: {  	s18 =	simm.s32 $0x200;
	s17 =	simm.s32 $0x100;
	[sflag:s11] =	ssyncset.done $0x0  }
.LBB2_2:
0x2a: {  	s19 =	sadd.s32 s17, s10  }
0x2b: {  	[sflag:s11] =	ssyncadd.s32 $0xFFFFF800;
	s20 =	smov.u32 s18;
	s21 =	sadd.s32 $0x100, s18  }
0x2c: {  	[tilespmem:s2], [sflag:$0x2] =	stream.linear.gather [hbm4b:s19+s2], $0x800, $0x38;
	[tilespmem:$0x2000] =	vst v63  }
0x2d: {  	p0 =	sne.s32 s18, $0x1300;
	_ =	swait.ge [sflag:s11], $0x800  }
0x2e: {  	[sflag:s11] =	ssyncset.done $0x0  }
0x2f: {  	[sflag:s11] =	ssyncadd.s32 $0xFFFFF800  }
0x30: {  	[tilespmem:s12], [sflag:$0x1] =	stream.indirect.gather [hbm4b:s3+s12], $0x1, s2, s12, $0xb8;
	[tilespmem:$0x2000] =	vst v63  }
0x31: {  	_ = 	snop  }
0x32: {  	[tilespmem:s13], [sflag:$0x1] =	stream.indirect.gather [hbm4b:s4+s12], $0x1, s2, s12, $0xb8;
	[tilespmem:$0x2000] =	vst v63  }
0x33: {  	_ = 	snop  }
0x34: {  	[tilespmem:s14], [sflag:$0x1] =	stream.indirect.gather [hbm4b:s5+s12], $0x1, s2, s12, $0xb8;
	[tilespmem:$0x2000] =	vst v63  }
0x35: {  	_ =	swait.ge [sflag:s15], $0x800  }
0x36: {  	[sflag:s15] =	ssyncset.done $0x0  }
0x37: {  	[sflag:s15] =	ssyncadd.s32 $0xFFFFF800  }
0x38: {  	_ =	swait.ge [sflag:s15], $0x800  }
0x39: {  	[sflag:s15] =	ssyncset.done $0x0  }
0x3a: {  	[sflag:s15] =	ssyncadd.s32 $0xFFFFF800  }
0x3b: {  	_ =	swait.ge [sflag:s15], $0x800  }
0x3c: {  	[sflag:s15] =	ssyncset.done $0x0  }
0x3d: {  	s18 =	sadd.s32 s17, s9;
	[sflag:s15] =	ssyncadd.s32 $0xFFFFF800  }
0x3e: {  	[hbm4b:s18+s2] =	stream.linear.scatter [tilespmem:s12], [sflag:$0x2], $0x800, $0x38;
	[tilespmem:$0x2000] =	vst v63  }
0x3f: {  	_ =	swait.ge [sflag:s11], $0x800  }
0x40: {  	[sflag:s11] =	ssyncset.done $0x0  }
0x41: {  	s18 =	sadd.s32 s17, s8;
	[sflag:s11] =	ssyncadd.s32 $0xFFFFF800  }
0x42: {  	[hbm4b:s18+s2] =	stream.linear.scatter [tilespmem:s13], [sflag:$0x2], $0x800, $0x38;
	[tilespmem:$0x2000] =	vst v63  }
0x43: {  	_ =	swait.ge [sflag:s11], $0x800  }
.Ltmp0:
0x44: {  	[sflag:s11] =	ssyncset.done $0x0;
	(pc) =	sbr.rel @p0 .LBB2_2-.Ltmp0, $4  }
0x45: {  	s18 =	sadd.s32 s17, s7;
	s17 =	smov.u32 s20;
	[sflag:s11] =	ssyncadd.s32 $0xFFFFF800  }
0x46: {  	[hbm4b:s18+s2] =	stream.linear.scatter [tilespmem:s14], [sflag:$0x2], $0x800, $0x38;
	[tilespmem:$0x2000] =	vst v63  }
0x47: {  	_ =	swait.ge [sflag:s11], $0x800  }
0x48: {  	s18 =	smov.u32 s21;
	[sflag:s11] =	ssyncset.done $0x0  }
0x49: {  	s18 =	sadd.s32 s17, s10;
	[sflag:s11] =	ssyncadd.s32 $0xFFFFF800  }
0x4a: {  	[tilespmem:s2], [sflag:$0x2] =	stream.linear.gather [hbm4b:s18+s2], $0x800, $0x38;
	[tilespmem:$0x2000] =	vst v63  }
0x4b: {  	_ =	swait.ge [sflag:s11], $0x800  }
0x4c: {  	[sflag:s11] =	ssyncset.done $0x0  }
0x4d: {  	[sflag:s11] =	ssyncadd.s32 $0xFFFFF800  }
0x4e: {  	[tilespmem:s12], [sflag:$0x1] =	stream.indirect.gather [hbm4b:s3+s12], $0x1, s2, s12, $0xb8;
	[tilespmem:$0x2000] =	vst v63  }
0x4f: {  	_ = 	snop  }
0x50: {  	[tilespmem:s13], [sflag:$0x1] =	stream.indirect.gather [hbm4b:s4+s12], $0x1, s2, s12, $0xb8;
	[tilespmem:$0x2000] =	vst v63  }
0x51: {  	_ = 	snop  }
0x52: {  	[tilespmem:s14], [sflag:$0x1] =	stream.indirect.gather [hbm4b:s5+s12], $0x1, s2, s12, $0xb8;
	[tilespmem:$0x2000] =	vst v63  }
0x53: {  	_ =	swait.ge [sflag:s15], $0x800  }
0x54: {  	[sflag:s15] =	ssyncset.done $0x0  }
0x55: {  	[sflag:s15] =	ssyncadd.s32 $0xFFFFF800  }
0x56: {  	_ =	swait.ge [sflag:s15], $0x800  }
0x57: {  	[sflag:s15] =	ssyncset.done $0x0  }
0x58: {  	[sflag:s15] =	ssyncadd.s32 $0xFFFFF800  }
0x59: {  	_ =	swait.ge [sflag:s15], $0x800  }
0x5a: {  	[sflag:s15] =	ssyncset.done $0x0  }
0x5b: {  	s29 =	sadd.s32 s17, s9;
	[sflag:s15] =	ssyncadd.s32 $0xFFFFF800  }
0x5c: {  	[hbm4b:s29+s2] =	stream.linear.scatter [tilespmem:s12], [sflag:$0x2], $0x800, $0x38;
	[tilespmem:$0x2000] =	vst v63  }
0x5d: {  	_ =	swait.ge [sflag:s11], $0x800  }
0x5e: {  	[sflag:s11] =	ssyncset.done $0x0  }
0x5f: {  	s30 =	sadd.s32 s17, s8;
	[sflag:s11] =	ssyncadd.s32 $0xFFFFF800  }
0x60: {  	[hbm4b:s30+s2] =	stream.linear.scatter [tilespmem:s13], [sflag:$0x2], $0x800, $0x38;
	[tilespmem:$0x2000] =	vst v63  }
0x61: {  	s16 =	sadd.s32 $0x1, s16;
	_ =	swait.ge [sflag:s11], $0x800  }
0x62: {  	p0 =	sne.s32 s16, s6;
	[sflag:s11] =	ssyncset.done $0x0  }
.Ltmp1:
0x63: {  	s31 =	sadd.s32 s17, s7;
	[sflag:s11] =	ssyncadd.s32 $0xFFFFF800;
	(pc) =	sbr.rel @p0 .LBB2_1-.Ltmp1, $4  }
0x64: {  	[hbm4b:s31+s2] =	stream.linear.scatter [tilespmem:s14], [sflag:$0x2], $0x800, $0x38;
	[tilespmem:$0x2000] =	vst v63  }
0x65: {  	_ =	swait.ge [sflag:s11], $0x800  }
0x66: {  	[sflag:s11] =	ssyncset.done $0x0  }
0x67: {  	[sflag:s11] =	ssyncadd.s32 $0xFFFFF800  }
0x68: {  	_ =	sfence.sel $0x180000  }
0x69: {  	[bflag:$0x0] =	sbarrier.arrive $0xFFFF  }
0x6a: {  	p0 =	sne.s32 s0, $0x0;
	_ =	strace $0x90000047  }
0x6b: {  	s0 =	sadd.s32 @!p0 $0x100000, s1;
	[bflag:$0x2] =	sbarrier.arrive $0xFFFF  }
0x6c: {  	[sflag:s0] =	ssyncadd.tile.s32 @!p0 $0x1;
	_ =	shalt  }
.Lfunc_end2:
_tile_overlayer_lowered:
.L_overlay_start_2:
0x6d: {  	(tag) =	ssettag $0x2  }
0x6e: {  	s0 =	rddreg [dreg:$0x0];
	s2 =	stileid.u32  }
0x6f: {  	s1 =	rddreg [dreg:$0x1];
	p0 =	sne.s32 s2, $0x0  }
0x70: {  	s3 =	rddreg [dreg:$0x2];
	[bflag:$0x3] =	sbarrier.arrive $0xFFFF;
	s2 =	simm.s32 @!p0 $0x1C02  }
0x71: {  	[timem:s3], [sflag:s2] =	dma.local @!p0 [hbm:s0], s1  }
0x72: {  	s0 =	simm.s32 @!p0 $0x2  }
0x73: {  	_ =	swait.ge @!p0 [sflag:s0], s1  }
0x74: {  	s1 =	ssub.s32 @!p0 $0x0, s1;
	[sflag:s0] =	ssyncset.done @!p0 $0x0  }
0x75: {  	[sflag:s0] =	ssyncadd.s32 @!p0 s1  }
0x76: {  	[bflag:$0x3] =	sbarrier.arrive $0xFFFF  }
0x77: {  	_ =	shalt  }

// kernel: sparse-core-data-format-call.cloned.1.call-start
scs
called_computation_lowered:
.L_overlay_start_0:
0x0: {  	s2 =	sld [smem:$0x3FD9]  }
0x1: {  	s3 =	sld [smem:$0x3FFE];
	_ =	sdelay $0x1  }
0x2: {  	s1 =	srdreg.scid  }
0x3: {  	s0 =	sand.u32 $0x1, s1  }
0x4: {  	s18 =	sshll.u32 s0, $0xA;
	s2 =	sadd.s32 s3, s2  }
0x5: {  	s2 =	sadd.s32 s2, s18  }
0x6: {  	[smem:$0x3FC2] =	sst s2  }
0x7: {  	_ = 	snop  }
0x8: {  	s2 =	sld [smem:$0x3FD0];
	(tm) =	ssettm $0x1  }
0x9: {  	s19 =	sld [smem:$0x3FFB];
	_ =	sdelay $0x3  }
0xa: {  	_ =	strace s19  }
0xb: {  	s3 =	sld [smem:$0x3FFC];
	_ =	sdelay $0x3  }
0xc: {  	_ =	strace s3  }
0xd: {  	s3 =	sld [smem:$0x3FFD];
	_ =	sdelay $0x3  }
0xe: {  	_ =	strace s3  }
0xf: {  	_ =	strace $0x8FFFFFFF  }
0x10: {  	s20 =	sld [smem:$0x3FDB];
	_ =	sdelay $0x1  }
0x11: {  	s4 =	simm.s32 $_scs_section_size  }
0x12: {  	s5 =	simm.s32 $_size__tile_overlayer_lowered;
	s6 =	simm.s32 $_tile_overlayer_lowered  }
0x13: {  	s23 =	simm.s32 $0x1BFF;
	s22 =	sshll.u32 s6, $0x1;
	s3 =	sadd.s32 s4, s20  }
0x14: {  	s7 =	simm.s32 $0x0;
	s21 =	sshll.u32 s5, $0x1;
	s5 =	sadd.s32 s22, s3  }
0x15: {  	[timem:s7], [sflag:s23] =	dma.local [hbm:s5], s21  }
0x16: {  	_ =	swait.ge [sflag:s23], s21  }
0x17: {  	s4 =	ssub.s32 $0x0, s21;
	[sflag:s23] =	ssyncset.done $0x0  }
0x18: {  	[sflag:s23] =	ssyncadd.s32 s4;
	_ =	sdelay $0x1  }
0x19: {  	s24 =	simm.s32 $0x1B8B  }
0x1a: {  	_ =	swait.ge [sflag:s24], $0x1  }
0x1b: {  	[sflag:s24] =	ssyncset.done $0x0  }
0x1c: {  	s26 =	simm.s32 $0x1B8E;
	s25 =	sld [smem:$0x3FFE];
	[sflag:s24] =	ssyncadd.s32 $0xFFFFFFFF  }
0x1d: {  	s27 =	simm.s32 $execute0_lowered;
	[smem:$0x3FD2] =	sst s26  }
0x1e: {  	s5 =	sshll.u32 s27, $0x1;
	_ =	strace $0x80000049;
	[dreg:$0x1] =	wrdreg $0xFFFFFFFF  }
0x1f: {  	s28 =	simm.s32 $_size_execute0_lowered;
	s3 =	sadd.s32 s3, s5;
	[dreg:$0x0] =	wrdreg $0x0  }
0x20: {  	s5 =	sshll.u32 s28, $0x1;
	[dreg:$0x2] =	wrdreg s3  }
0x21: {  	[dreg:$0x3] =	wrdreg s5  }
0x22: {  	[dreg:$0x4] =	wrdreg $0xC0  }
0x23: {  	_ =	task [dreg:s7], $0x5FFFF  }
0x24: {  	[dreg:$0x1] =	wrdreg $0xFFFFFFFF  }
0x25: {  	[dreg:$0x0] =	wrdreg $0x60  }
0x26: {  	[dreg:$0x2] =	wrdreg s25  }
0x27: {  	[dreg:$0x3] =	wrdreg s2  }
0x28: {  	[dreg:$0x4] =	wrdreg $0x9  }
0x29: {  	_ =	task.clear_ibuf [dreg:s7], $0x5FFFF;
	_ =	strace $0x90000049  }
0x2a: {  	s29 =	simm.s32 $0x9;
	_ =	strace $0x8000004B  }
0x2b: {  	_ =	swait.ge [sflag:s29], $0x1  }
0x2c: {  	[sflag:s29] =	ssyncadd.s32 $0xFFFFFFFF  }
0x2d: {  	_ =	strace $0x9000004B  }
0x2e: {  	_ =	sfence  }
0x2f: {  	s30 =	sld [smem:$0x0];
	_ =	sdelay $0x2  }
0x30: {  	s31 =	sshll.u32 s1, $0xD;
	s1 =	sshrl.u32 s1, $0x2  }
0x31: {  	s3 =	sand.u32 $0x4000, s31;
	s1 =	sadd.s32 s1, s30  }
0x32: {  	s0 =	sor.u32 s3, s0;
	s1 =	sshll.u32 s1, $0x11  }
0x33: {  	s0 =	sor.u32 s1, s0  }
0x34: {  	s0 =	sadd.s32 $0x8F2B, s0  }
0x35: {  	[sflag:s0] =	ssyncadd.remote.s32 $0x1  }
0x36: {  	_ =	sfence.sel $0xFFFF  }
0x37: {  	[dreg:$0x0] =	wrdreg $0xFFFFFFFF;
	(pc) =	sbr.abs _section_cstart, $3  }
0x38: {  	[dreg:$0x1] =	wrdreg $0xFFFFFFFF  }
0x39: {  	_ =	task.clear_ibuf [dreg:s7], $0x2FFFF;
	_ =	strace $0x9FFFFFFF  }
0x3a: {  	(tm) =	ssettm $0x7FFFFFFF  }
0x3b: {  	_ =	shalt  }
tec
execute0_lowered:
.L_overlay_start_1:
0x0: {  	(tag) =	ssettag $0x1  }
0x1: {  	s15 =	rddreg [dreg:$0x0]  }
0x2: {  	s2 =	rddreg [dreg:$0x1]  }
0x3: {  	_ =	strace $0x8000004A;
	s1 =	stileid.u32;
	s5 =	srdreg.scid  }
0x4: {  	s31 =	simm.s32 $0x2;
	s24 =	simm.s32 $0x0;
	s17 =	simm.s32 $0x50000  }
0x5: {  	s22 =	simm.s32 $0x0;
	s23 =	simm.s32 $0x0;
	s21 =	simm.s32 $0x0  }
0x6: {  	s3 =	sadd.s32 $0x2600, s15;
	s4 =	sand.u32 $0x1, s1;
	s6 =	sshll.u32 s1, $0x2  }
0x7: {  	s7 =	sshll.u32 s1, $0x5;
	s8 =	sshll.u32 s5, $0x9;
	s13 =	sadd.s32 $0x322600, s15  }
0x8: {  	s14 =	sadd.s32 $0x3C2600, s15;
	s5 =	sand.u32 $0x8, s6;
	s7 =	sor.u32 s7, s8  }
0x9: {  	s6 =	simm.s32 $0x1;
	s29 =	ssub.s32 $0x2, s4;
	s20 =	smov.u32 s4  }
0xa: {  	s9 =	sshrl.u32 s29, $0x1;
	s8 =	sand.u32 $0x1, s29;
	s10 =	ssub.s32 $0x10, s5  }
0xb: {  	s7 =	sand.u32 $0x380, s7;
	s8 =	sadd.s32 s8, s9;
	s30 =	sshrl.u32 s10, $0x3  }
0xc: {  	s11 =	ssub.s32 $0xA000, s7;
	s10 =	sshrl.u32 s10, $0x4;
	s9 =	sand.u32 $0x1, s30  }
0xd: {  	[sflag:s6] =	ssyncpa.u1 $0x0;
	s12 =	sand.u32 $0x380, s11;
	s9 =	sadd.s32 s10, s9  }
0xe: {  	p0 =	sne.s32 s12, $0x0;
	s10 =	simm.s32 $0x1;
	s9 =	smul.u32 s8, s9  }
.Ltmp0:
0xf: {  	s11 =	sshrl.u32 s11, $0xA;
	s10 =	simm.s32 @!p0 $0x0;
	(pc) =	sbr.rel .LBB1_1-.Ltmp0, $4  }
0x10: {  	s19 =	smov.u32 s5;
	[sflag:s31] =	ssyncpa.u1 $0x0;
	s10 =	sadd.s32 s10, s11  }
0x11: {  	s18 =	smov.u32 s7;
	s12 =	sadd.s32 $0x282600, s15;
	s9 =	smul.u32 s10, s9  }
0x12: {  	s8 =	sadd.s32 $0xA2600, s15;
	p0 =	por $0x0, $0x0;
	s11 =	sadd.s32 $0x1E2600, s15  }
0x13: {  	s10 =	sadd.s32 $0x142600, s15;
	s15 =	sadd.s32 $0x462600, s15;
	s16 =	sadd.s32 $0x1, s9  }
.LBB1_7:
0x14: {  	s0 =	sadd.s32 $0x400, s18  }
0x15: {  	s22 =	sadd.s32 $0x10, s19;
	s25 =	smov.u32 s19;
	p2 =	sgt.s32 s0, $0x9FFF  }
0x16: {  	s25 =	smov.u32 @p2 s22  }
0x17: {  	s27 =	smov.u32 s20;
	s22 =	sadd.s32 $0x2, s20;
	p3 =	sgt.s32 s25, $0xF  }
0x18: {  	s27 =	smov.u32 @p3 s22  }
0x19: {  	s0 =	smov.u32 @p2 s7;
	p2 =	sgt.s32 s27, $0x1  }
0x1a: {  	p1 =	slt.u32 s21, $0x2;
	s27 =	smov.u32 @p2 s4;
	p2 =	sne.s32 s21, s16  }
.Ltmp1:
0x1b: {  	s26 =	simm.s32 @!p1 $0x2;
	(pc) =	sbr.rel @!p2 .LBB1_8-.Ltmp1, $4  }
0x1c: {  	s24 =	smov.u32 s18;
	s23 =	smov.u32 s20;
	_ =	swait.ge @!p1 [sflag:s26], $0x4000  }
0x1d: {  	p0 =	por !p0, !p0;
	[sflag:s26] =	ssyncset.done @!p1 $0x0;
	s18 =	smov.u32 s0  }
0x1e: {  	s25 =	smov.u32 @p3 s5;
	s22 =	smov.u32 s19;
	[sflag:s26] =	ssyncadd.s32 @!p1 $0xFFFFC000  }
0x1f: {  	s19 =	smov.u32 s25;
	s21 =	sadd.s32 $0x1, s21;
	s20 =	smov.u32 s27  }
.LBB1_1:
0x20: {  	p1 =	sge.u32 s21, s9  }
0x21: {  	s25 =	sand.u32 @!p1 $0x1FFFFFF, s18  }
0x22: {  	s26 =	smulhi.u32 @!p1 $0xCCCCCD, s25;
	_ =	sdelay $0x1  }
0x23: {  	s27 =	smul.u32 @!p1 $0xA00000, s20;
	s26 =	sshrl.u32 @!p1 s26, $0x7  }
0x24: {  	s26 =	smul.u32 @!p1 $0xA000, s26  }
0x25: {  	s28 =	sxor.u32 @!p1 $0xFFFFFFFF, s21;
	s29 =	smul.u32 @!p1 $0xA0000, s19  }
0x26: {  	s30 =	simm.s32 @!p1 $0x10;
	s25 =	ssub.s32 @!p1 s25, s26;
	s26 =	sadd.s32 @!p1 s3, s27  }
0x27: {  	s28 =	sshll.u32 @!p1 s28, $0xE;
	s25 =	sshll.u32 @!p1 s25, $0x4;
	s26 =	sadd.s32 @!p1 s29, s26  }
0x28: {  	s31 =	simm.s32 @!p1 $0x80;
	s28 =	sand.u32 @!p1 $0x4000, s28;
	s26 =	sadd.s32 @!p1 s25, s26  }
0x29: {  	[tilespmem:s28], [sflag:$0x1] =	stream.strided.gather @!p1 [hbm4b:s26+s30], $0x800, s31, s30, $0x38;
	[tilespmem:$0x10100] =	vst v63  }
0x2a: {  	s26 =	sadd.s32 @!p1 s27, s8  }
0x2b: {  	s26 =	sadd.s32 @!p1 s29, s26  }
0x2c: {  	s0 =	sor.u32 @!p1 $0x800, s28;
	s26 =	sadd.s32 @!p1 s25, s26  }
0x2d: {  	[tilespmem:s0], [sflag:$0x1] =	stream.strided.gather @!p1 [hbm4b:s26+s30], $0x800, s31, s30, $0x38;
	[tilespmem:$0x10100] =	vst v63  }
0x2e: {  	s0 =	sadd.s32 @!p1 s27, s10  }
0x2f: {  	s0 =	sadd.s32 @!p1 s29, s0  }
0x30: {  	s26 =	sor.u32 @!p1 $0x1000, s28;
	s0 =	sadd.s32 @!p1 s25, s0  }
0x31: {  	[tilespmem:s26], [sflag:$0x1] =	stream.strided.gather @!p1 [hbm4b:s0+s30], $0x800, s31, s30, $0x38;
	[tilespmem:$0x10100] =	vst v63  }
0x32: {  	s0 =	sadd.s32 @!p1 s27, s11  }
0x33: {  	s0 =	sadd.s32 @!p1 s29, s0  }
0x34: {  	s26 =	sor.u32 @!p1 $0x1800, s28;
	s0 =	sadd.s32 @!p1 s25, s0  }
0x35: {  	[tilespmem:s26], [sflag:$0x1] =	stream.strided.gather @!p1 [hbm4b:s0+s30], $0x800, s31, s30, $0x38;
	[tilespmem:$0x10100] =	vst v63  }
0x36: {  	s0 =	sadd.s32 @!p1 s27, s12  }
0x37: {  	s0 =	sadd.s32 @!p1 s29, s0  }
0x38: {  	s26 =	sor.u32 @!p1 $0x2000, s28;
	s0 =	sadd.s32 @!p1 s25, s0  }
0x39: {  	[tilespmem:s26], [sflag:$0x1] =	stream.strided.gather @!p1 [hbm4b:s0+s30], $0x800, s31, s30, $0x38;
	[tilespmem:$0x10100] =	vst v63  }
0x3a: {  	s0 =	sadd.s32 @!p1 s27, s13  }
0x3b: {  	s0 =	sadd.s32 @!p1 s29, s0  }
0x3c: {  	s26 =	sor.u32 @!p1 $0x2800, s28;
	s0 =	sadd.s32 @!p1 s25, s0  }
0x3d: {  	[tilespmem:s26], [sflag:$0x1] =	stream.strided.gather @!p1 [hbm4b:s0+s30], $0x800, s31, s30, $0x38;
	[tilespmem:$0x10100] =	vst v63  }
0x3e: {  	s0 =	sadd.s32 @!p1 s27, s14  }
0x3f: {  	s0 =	sadd.s32 @!p1 s29, s0  }
0x40: {  	s26 =	sor.u32 @!p1 $0x3000, s28;
	s0 =	sadd.s32 @!p1 s25, s0  }
0x41: {  	[tilespmem:s26], [sflag:$0x1] =	stream.strided.gather @!p1 [hbm4b:s0+s30], $0x800, s31, s30, $0x38;
	[tilespmem:$0x10100] =	vst v63  }
0x42: {  	s0 =	sadd.s32 @!p1 s27, s15  }
0x43: {  	s0 =	sadd.s32 @!p1 s29, s0  }
0x44: {  	s0 =	sadd.s32 @!p1 s25, s0;
	s25 =	sor.u32 @!p1 $0x3800, s28  }
0x45: {  	[tilespmem:s25], [sflag:$0x1] =	stream.strided.gather @!p1 [hbm4b:s0+s30], $0x800, s31, s30, $0x38;
	[tilespmem:$0x10100] =	vst v63  }
0x46: {  	s31 =	sadd.s32 $0xFFFFFFFF, s21  }
0x47: {  	p1 =	sge.u32 s31, s9  }
.Ltmp2:
0x48: {  	_ = 	snop;
	(pc) =	sbr.rel @p1 .LBB1_7-.Ltmp2, $1  }
0x49: {  	_ =	sdelay $0x3  }
0x4a: {  	s0 =	simm.s32 $0x1;
	s26 =	sand.u32 $0x1, s21  }
0x4b: {  	_ =	swait.ge [sflag:s6], $0x4000;
	s0 =	simm.s32 @!p0 $0x0;
	s28 =	smul.u32 $0x10200, s26  }
0x4c: {  	[sflag:s6] =	ssyncset.done $0x0;
	s25 =	smul.u32 $0x10200, s0  }
0x4d: {  	s0 =	sshll.u32 s0, $0xE;
	[sflag:s6] =	ssyncadd.s32 $0xFFFFC000  }
0x4e: {  	s27 =	sor.u32 $0x40, s0;
	s31 =	sshrl.u32 s28, $0x2;
	s25 =	sshrl.u32 s25, $0x2  }
0x4f: {  	s28 =	simm.s32 $0x0;
	s26 =	sor.u32 $0x8007, s25;
	s25 =	sor.u32 $0x8000, s31  }
.LBB1_3:
0x50: {  	v3 =	vld [tilespmem:s27+$0x30]  }
0x51: {  	v4 =	vld [tilespmem:s27+$0xFFFFFFD0]  }
0x52: {  	v5 =	vld [tilespmem:s27+$0xFFFFFFE0]  }
0x53: {  	v1 =	vld [tilespmem:s27+$0xFFFFFFF0]  }
0x54: {  	v0 =	vld [tilespmem:s27+$0x0]  }
0x55: {  	v2 =	vld [tilespmem:s27+$0x10];
	[tilespmem:s26+$0x0 ss:$0x81] =	vst.msk $0xffff, v3  }
0x56: {  	[tilespmem:s26+$0xFFFFFFFA ss:$0x81] =	vst.msk $0xffff, v4;
	v4 =	vld [tilespmem:s27+$0x20]  }
0x57: {  	s30 =	simm.s32 $0x0;
	s31 =	sadd.s32 $0x80, s27;
	s29 =	smov.u32 s26;
	v3 =	vld [tilespmem:s27+$0xFFFFFFC0];
	[tilespmem:s26+$0xFFFFFFFB ss:$0x81] =	vst.msk $0xffff, v5  }
.LBB1_4:
0x58: {  	v5 =	vld [tilespmem:s31+$0x30];
	s30 =	sadd.s32 $0x8, s30;
	[tilespmem:s29+$0xFFFFFFFC ss:$0x81] =	vst.msk $0xffff, v1  }
0x59: {  	v6 =	vld [tilespmem:s31+$0xFFFFFFD0];
	p1 =	slt.u32 s30, $0x78;
	[tilespmem:s29+$0xFFFFFFFD ss:$0x81] =	vst.msk $0xffff, v0  }
0x5a: {  	v7 =	vld [tilespmem:s31+$0xFFFFFFE0];
	[tilespmem:s29+$0xFFFFFFFE ss:$0x81] =	vst.msk $0xffff, v2  }
.Ltmp3:
0x5b: {  	v1 =	vld [tilespmem:s31+$0xFFFFFFF0];
	[tilespmem:s29+$0xFFFFFFFF ss:$0x81] =	vst.msk $0xffff, v4;
	(pc) =	sbr.rel @p1 .LBB1_4-.Ltmp3, $4  }
0x5c: {  	v0 =	vld [tilespmem:s31+$0x0];
	[tilespmem:s29+$0xFFFFFFF9 ss:$0x81] =	vst.msk $0xffff, v3;
	s29 =	sadd.s32 $0x8, s29  }
0x5d: {  	v2 =	vld [tilespmem:s31+$0x10];
	[tilespmem:s29+$0x0 ss:$0x81] =	vst.msk $0xffff, v5  }
0x5e: {  	[tilespmem:s29+$0xFFFFFFFA ss:$0x81] =	vst.msk $0xffff, v6;
	v4 =	vld [tilespmem:s31+$0x20]  }
0x5f: {  	v3 =	vld [tilespmem:s31+$0xFFFFFFC0];
	[tilespmem:s29+$0xFFFFFFFB ss:$0x81] =	vst.msk $0xffff, v7;
	s31 =	sadd.s32 $0x80, s31  }
0x60: {  	s28 =	sadd.s32 $0x1, s28  }
0x61: {  	p1 =	sne.s32 s28, $0x8  }
.Ltmp4:
0x62: {  	[tilespmem:s29+$0xFFFFFFFC ss:$0x81] =	vst.msk $0xffff, v1;
	(pc) =	sbr.rel @p1 .LBB1_3-.Ltmp4, $4  }
0x63: {  	[tilespmem:s29+$0xFFFFFFFD ss:$0x81] =	vst.msk $0xffff, v0  }
0x64: {  	[tilespmem:s29+$0xFFFFFFFE ss:$0x81] =	vst.msk $0xffff, v2  }
0x65: {  	[tilespmem:s29+$0xFFFFFFFF ss:$0x81] =	vst.msk $0xffff, v4  }
0x66: {  	s26 =	sadd.s32 $0x810, s26;
	s27 =	sadd.s32 $0x800, s27;
	[tilespmem:s29+$0xFFFFFFF9 ss:$0x81] =	vst.msk $0xffff, v3  }
0x67: {  	s0 =	sshll.u32 s24, $0x3  }
0x68: {  	s29 =	sand.u32 $0x7F, s24;
	s26 =	sand.u32 $0xFFFFFC00, s0  }
0x69: {  	s0 =	smulhi.u32 $0xCCCCCCCD, s0;
	s24 =	sor.u32 s29, s26  }
0x6a: {  	s26 =	smulhi.u32 $0xCCCCCCCD, s24  }
0x6b: {  	s23 =	smul.u32 $0x140000, s23  }
0x6c: {  	s22 =	smul.u32 $0x14000, s22;
	s0 =	sshrl.u32 s0, $0xF;
	s26 =	sshrl.u32 s26, $0xF  }
0x6d: {  	s0 =	sand.u32 $0xF, s0;
	s26 =	smul.u32 $0xA000, s26  }
0x6e: {  	s0 =	smul.u32 $0x1400, s0  }
.Ltmp5:
0x6f: {  	s23 =	sadd.s32 s2, s23;
	s24 =	ssub.s32 s24, s26;
	(pc) =	sbr.rel .LBB1_7-.Ltmp5, $4  }
0x70: {  	s22 =	sadd.s32 s22, s23;
	s30 =	sand.u32 $0x7, s24  }
0x71: {  	s0 =	sadd.s32 s0, s22;
	s24 =	sshrl.u32 s24, $0x3;
	s31 =	sshll.u32 s30, $0x12  }
0x72: {  	s0 =	sadd.s32 s24, s0;
	s22 =	sor.u32 $0x400, s31  }
0x73: {  	[hbm4b:s0+s22] =	stream.strided.scatter [tilespmem:s25], [sflag:$0x2], $0x4000, s17, s22, $0x20;
	[tilespmem:$0x10100] =	vst v63  }
.LBB1_8:
0x74: {  	_ =	sfence.sel $0x180000  }
0x75: {  	s0 =	simm.s32 $0x1;
	[bflag:$0x0] =	sbarrier.arrive $0xFFFF  }
0x76: {  	s31 =	simm.s32 $0x2;
	[sflag:s0] =	ssyncpa.u1 $0x1  }
0x77: {  	[sflag:s31] =	ssyncpa.u1 $0x1  }
0x78: {  	_ =	strace $0x9000004A  }
0x79: {  	[bflag:$0x2] =	sbarrier.arrive $0xFFFF  }
0x7a: {  	p0 =	sne.s32 s1, $0x0;
	s0 =	rddreg [dreg:$0x2]  }
0x7b: {  	s0 =	sadd.s32 @!p0 $0x100000, s0  }
0x7c: {  	[sflag:s0] =	ssyncadd.tile.s32 @!p0 $0x1;
	_ =	shalt  }
.Lfunc_end1:
_tile_overlayer_lowered:
.L_overlay_start_2:
0x7d: {  	(tag) =	ssettag $0x2  }
0x7e: {  	s0 =	rddreg [dreg:$0x0];
	s2 =	stileid.u32  }
0x7f: {  	s1 =	rddreg [dreg:$0x1];
	p0 =	sne.s32 s2, $0x0  }
0x80: {  	s3 =	rddreg [dreg:$0x2];
	[bflag:$0x3] =	sbarrier.arrive $0xFFFF;
	s2 =	simm.s32 @!p0 $0x1C01  }
0x81: {  	[timem:s3], [sflag:s2] =	dma.local @!p0 [hbm:s0], s1  }
0x82: {  	s0 =	simm.s32 @!p0 $0x1  }
0x83: {  	_ =	swait.ge @!p0 [sflag:s0], s1  }
0x84: {  	s1 =	ssub.s32 @!p0 $0x0, s1;
	[sflag:s0] =	ssyncset.done @!p0 $0x0  }
0x85: {  	[sflag:s0] =	ssyncadd.s32 @!p0 s1  }
0x86: {  	[bflag:$0x3] =	sbarrier.arrive $0xFFFF  }
0x87: {  	_ =	shalt  }

</sc_bundles>
